<compile_context>
chip_gen: v7x
topology: tpu7x:2x2x1
jax: 0.10.2.dev20260603
libtpu: 0.0.44.dev20260713+nightly
codegen_flags: <defaults>
</compile_context>

<pallas_src>
import jax
import jax.numpy as jnp
from jax import lax
from jax.experimental import pallas as pl
from jax.experimental.pallas import tpu as pltpu
from jax.experimental.pallas import tpu_sc as plsc

_D = 128
_NROWS = 12
_S1 = 128 * 64
_S2 = 64


def _body(i1_hbm, i2_hbm, i3_hbm, xflat_hbm, out_hbm, i1_s, i2_s, i3_s, sem):
    c1 = pltpu.make_async_copy(i1_hbm, i1_s, sem)
    c2 = pltpu.make_async_copy(i2_hbm, i2_s, sem)
    c3 = pltpu.make_async_copy(i3_hbm, i3_s, sem)
    c1.start()
    c2.start()
    c3.start()
    c1.wait()
    c2.wait()
    c3.wait()
    copies = []
    for i in range(_NROWS):
        flat = i1_s[i // 3] * _S1 + i2_s[i % 3] * _S2 + i3_s[i]
        cp = pltpu.make_async_copy(
            xflat_hbm.at[pl.ds(flat, 1)], out_hbm.at[pl.ds(i, 1)], sem)
        cp.start()
        copies.append(cp)
    for cp in copies:
        cp.wait()


def kernel(x, index1, index2, index3):
    xflat = x.reshape(-1, _D)
    mesh = plsc.ScalarSubcoreMesh(axis_name="c", num_cores=1)
    out = pl.kernel(
        _body,
        out_type=jax.ShapeDtypeStruct((_NROWS, _D), jnp.float32),
        mesh=mesh,
        compiler_params=pltpu.CompilerParams(needs_layout_passes=False),
        scratch_types=[
            pltpu.SMEM((4,), jnp.int32),
            pltpu.SMEM((3,), jnp.int32),
            pltpu.SMEM((_NROWS,), jnp.int32),
            pltpu.SemaphoreType.DMA,
        ],
    )(index1.reshape(4).astype(jnp.int32),
      index2.reshape(3).astype(jnp.int32),
      index3.reshape(_NROWS).astype(jnp.int32),
      xflat)
    return out.reshape(4, 3, _D)

# --- scband reference (transcript-rebuilt; emitter-appended) ---
"""Pipeline reference for scband-index-tensor-multi-input-non-contiguous-multiple-static-dims-86492051407093 (READ-ONLY COPY).

The authoritative reference and input builder live on the scoring server;
editing this copy changes nothing except your own understanding.
"""

import jax, jax.numpy as jnp
import numpy as np


def setup_inputs(seed: int = 0) -> dict:
    key = jax.random.key(seed)
    k1, k2, k3, k4 = jax.random.split(key, 4)
    x = jax.random.normal(k1, (64, 128, 64, 128), dtype=jnp.float32)
    # index tensors: values must be in-range for the dims they index
    index1 = jax.random.randint(k2, (4, 1), 0, 64)    # indexes dim 0 (size 64)
    index2 = jax.random.randint(k3, (1, 3), 0, 128)   # indexes dim 1 (size 128)
    index3 = jax.random.randint(k4, (4, 3), 0, 64)    # indexes dim 2 (size 64)
    return {"x": x, "index1": index1, "index2": index2, "index3": index3}


def reference(x, index1, index2, index3):
    # torch.ops.aten.index(x, (index1, index2, index3)) == advanced indexing on
    # the first three dims with broadcasting of the index tensors.
    # Broadcast shape of ([4,1],[1,3],[4,3]) -> [4,3]; result [4,3, x.shape[3]].
    return x[index1, index2, index3]

if __name__ == "__main__":
    import jax
    _d = setup_inputs()
    print(jax.jit(kernel)(*tuple(_d.values())))

</pallas_src>

<mosaic_0001>
#map = affine_map<(d0) -> (0)>
#map1 = affine_map<(d0) -> (0, 0)>
module attributes {stable_mosaic.version = 14 : i64} {
  func.func @_body(%arg0: i32, %arg1: memref<4xi32, #tpu.memory_space<hbm>>, %arg2: memref<3xi32, #tpu.memory_space<hbm>>, %arg3: memref<12xi32, #tpu.memory_space<hbm>>, %arg4: memref<524288x128xf32, #tpu.memory_space<hbm>>, %arg5: memref<12x128xf32, #tpu.memory_space<hbm>>, %arg6: memref<4xi32, #tpu.memory_space<smem>>, %arg7: memref<3xi32, #tpu.memory_space<smem>>, %arg8: memref<12xi32, #tpu.memory_space<smem>>, %arg9: memref<!tpu.dma_semaphore, #tpu.memory_space<semaphore_mem>>) attributes {dimension_semantics = [#tpu.dimension_semantics<core_parallel>], iteration_bounds = array<i64: 1>, scalar_prefetch = 0 : i64, scratch_operands = 4 : i64, tpu.core_type = #tpu.core_type<sc_scalar_subcore>, window_params = [{transform_indices = #map}, {transform_indices = #map}, {transform_indices = #map}, {transform_indices = #map1}, {transform_indices = #map1}]} {
    tpu.enqueue_dma source(%arg1 : memref<4xi32, #tpu.memory_space<hbm>>) target(%arg6 : memref<4xi32, #tpu.memory_space<smem>>) target_semaphore(%arg9 : memref<!tpu.dma_semaphore, #tpu.memory_space<semaphore_mem>>)
    tpu.enqueue_dma source(%arg2 : memref<3xi32, #tpu.memory_space<hbm>>) target(%arg7 : memref<3xi32, #tpu.memory_space<smem>>) target_semaphore(%arg9 : memref<!tpu.dma_semaphore, #tpu.memory_space<semaphore_mem>>)
    tpu.enqueue_dma source(%arg3 : memref<12xi32, #tpu.memory_space<hbm>>) target(%arg8 : memref<12xi32, #tpu.memory_space<smem>>) target_semaphore(%arg9 : memref<!tpu.dma_semaphore, #tpu.memory_space<semaphore_mem>>)
    tpu.wait_dma2 semaphore(%arg9 : memref<!tpu.dma_semaphore, #tpu.memory_space<semaphore_mem>>) src(%arg1 : memref<4xi32, #tpu.memory_space<hbm>>) dst(%arg6 : memref<4xi32, #tpu.memory_space<smem>>)
    tpu.wait_dma2 semaphore(%arg9 : memref<!tpu.dma_semaphore, #tpu.memory_space<semaphore_mem>>) src(%arg2 : memref<3xi32, #tpu.memory_space<hbm>>) dst(%arg7 : memref<3xi32, #tpu.memory_space<smem>>)
    tpu.wait_dma2 semaphore(%arg9 : memref<!tpu.dma_semaphore, #tpu.memory_space<semaphore_mem>>) src(%arg3 : memref<12xi32, #tpu.memory_space<hbm>>) dst(%arg8 : memref<12xi32, #tpu.memory_space<smem>>)
    %get3A = arith.constant 0 : i32
    %get3A_0 = arith.index_cast %get3A : i32 to index
    %get3A_1 = memref.load %arg6[%get3A_0] : memref<4xi32, #tpu.memory_space<smem>>
    %mul3A = arith.constant 8192 : i32
    %mul3A_2 = arith.muli %get3A_1, %mul3A : i32
    %get3A_3 = arith.constant 0 : i32
    %get3A_4 = arith.index_cast %get3A_3 : i32 to index
    %get3A_5 = memref.load %arg7[%get3A_4] : memref<3xi32, #tpu.memory_space<smem>>
    %mul3A_6 = arith.constant 64 : i32
    %mul3A_7 = arith.muli %get3A_5, %mul3A_6 : i32
    %add3A = arith.addi %mul3A_2, %mul3A_7 : i32
    %get3A_8 = arith.constant 0 : i32
    %get3A_9 = arith.index_cast %get3A_8 : i32 to index
    %get3A_10 = memref.load %arg8[%get3A_9] : memref<12xi32, #tpu.memory_space<smem>>
    %add3A_11 = arith.addi %add3A, %get3A_10 : i32
    %dma_start3A = arith.constant 0 : i32
    %dma_start3A_12 = arith.constant 0 : i32
    %dma_start3A_13 = tpu.memref_slice %arg5[%dma_start3A, %dma_start3A_12] : memref<12x128xf32, #tpu.memory_space<hbm>> -> memref<1x128xf32, #tpu.memory_space<hbm>>
    %dma_start3A_14 = arith.constant 0 : i32
    %dma_start3A_15 = tpu.memref_slice %arg4[%add3A_11, %dma_start3A_14] : memref<524288x128xf32, #tpu.memory_space<hbm>> -> memref<1x128xf32, #tpu.memory_space<hbm>>
    tpu.enqueue_dma source(%dma_start3A_15 : memref<1x128xf32, #tpu.memory_space<hbm>>) target(%dma_start3A_13 : memref<1x128xf32, #tpu.memory_space<hbm>>) target_semaphore(%arg9 : memref<!tpu.dma_semaphore, #tpu.memory_space<semaphore_mem>>)
    %get3A_16 = arith.constant 0 : i32
    %get3A_17 = arith.index_cast %get3A_16 : i32 to index
    %get3A_18 = memref.load %arg6[%get3A_17] : memref<4xi32, #tpu.memory_space<smem>>
    %mul3A_19 = arith.constant 8192 : i32
    %mul3A_20 = arith.muli %get3A_18, %mul3A_19 : i32
    %get3A_21 = arith.constant 1 : i32
    %get3A_22 = arith.index_cast %get3A_21 : i32 to index
    %get3A_23 = memref.load %arg7[%get3A_22] : memref<3xi32, #tpu.memory_space<smem>>
    %mul3A_24 = arith.constant 64 : i32
    %mul3A_25 = arith.muli %get3A_23, %mul3A_24 : i32
    %add3A_26 = arith.addi %mul3A_20, %mul3A_25 : i32
    %get3A_27 = arith.constant 1 : i32
    %get3A_28 = arith.index_cast %get3A_27 : i32 to index
    %get3A_29 = memref.load %arg8[%get3A_28] : memref<12xi32, #tpu.memory_space<smem>>
    %add3A_30 = arith.addi %add3A_26, %get3A_29 : i32
    %dma_start3A_31 = arith.constant 1 : i32
    %dma_start3A_32 = arith.constant 0 : i32
    %dma_start3A_33 = tpu.memref_slice %arg5[%dma_start3A_31, %dma_start3A_32] : memref<12x128xf32, #tpu.memory_space<hbm>> -> memref<1x128xf32, #tpu.memory_space<hbm>>
    %dma_start3A_34 = arith.constant 0 : i32
    %dma_start3A_35 = tpu.memref_slice %arg4[%add3A_30, %dma_start3A_34] : memref<524288x128xf32, #tpu.memory_space<hbm>> -> memref<1x128xf32, #tpu.memory_space<hbm>>
    tpu.enqueue_dma source(%dma_start3A_35 : memref<1x128xf32, #tpu.memory_space<hbm>>) target(%dma_start3A_33 : memref<1x128xf32, #tpu.memory_space<hbm>>) target_semaphore(%arg9 : memref<!tpu.dma_semaphore, #tpu.memory_space<semaphore_mem>>)
    %get3A_36 = arith.constant 0 : i32
    %get3A_37 = arith.index_cast %get3A_36 : i32 to index
    %get3A_38 = memref.load %arg6[%get3A_37] : memref<4xi32, #tpu.memory_space<smem>>
    %mul3A_39 = arith.constant 8192 : i32
    %mul3A_40 = arith.muli %get3A_38, %mul3A_39 : i32
    %get3A_41 = arith.constant 2 : i32
    %get3A_42 = arith.index_cast %get3A_41 : i32 to index
    %get3A_43 = memref.load %arg7[%get3A_42] : memref<3xi32, #tpu.memory_space<smem>>
    %mul3A_44 = arith.constant 64 : i32
    %mul3A_45 = arith.muli %get3A_43, %mul3A_44 : i32
    %add3A_46 = arith.addi %mul3A_40, %mul3A_45 : i32
    %get3A_47 = arith.constant 2 : i32
    %get3A_48 = arith.index_cast %get3A_47 : i32 to index
    %get3A_49 = memref.load %arg8[%get3A_48] : memref<12xi32, #tpu.memory_space<smem>>
    %add3A_50 = arith.addi %add3A_46, %get3A_49 : i32
    %dma_start3A_51 = arith.constant 2 : i32
    %dma_start3A_52 = arith.constant 0 : i32
    %dma_start3A_53 = tpu.memref_slice %arg5[%dma_start3A_51, %dma_start3A_52] : memref<12x128xf32, #tpu.memory_space<hbm>> -> memref<1x128xf32, #tpu.memory_space<hbm>>
    %dma_start3A_54 = arith.constant 0 : i32
    %dma_start3A_55 = tpu.memref_slice %arg4[%add3A_50, %dma_start3A_54] : memref<524288x128xf32, #tpu.memory_space<hbm>> -> memref<1x128xf32, #tpu.memory_space<hbm>>
    tpu.enqueue_dma source(%dma_start3A_55 : memref<1x128xf32, #tpu.memory_space<hbm>>) target(%dma_start3A_53 : memref<1x128xf32, #tpu.memory_space<hbm>>) target_semaphore(%arg9 : memref<!tpu.dma_semaphore, #tpu.memory_space<semaphore_mem>>)
    %get3A_56 = arith.constant 1 : i32
    %get3A_57 = arith.index_cast %get3A_56 : i32 to index
    %get3A_58 = memref.load %arg6[%get3A_57] : memref<4xi32, #tpu.memory_space<smem>>
    %mul3A_59 = arith.constant 8192 : i32
    %mul3A_60 = arith.muli %get3A_58, %mul3A_59 : i32
    %get3A_61 = arith.constant 0 : i32
    %get3A_62 = arith.index_cast %get3A_61 : i32 to index
    %get3A_63 = memref.load %arg7[%get3A_62] : memref<3xi32, #tpu.memory_space<smem>>
    %mul3A_64 = arith.constant 64 : i32
    %mul3A_65 = arith.muli %get3A_63, %mul3A_64 : i32
    %add3A_66 = arith.addi %mul3A_60, %mul3A_65 : i32
    %get3A_67 = arith.constant 3 : i32
    %get3A_68 = arith.index_cast %get3A_67 : i32 to index
    %get3A_69 = memref.load %arg8[%get3A_68] : memref<12xi32, #tpu.memory_space<smem>>
    %add3A_70 = arith.addi %add3A_66, %get3A_69 : i32
    %dma_start3A_71 = arith.constant 3 : i32
    %dma_start3A_72 = arith.constant 0 : i32
    %dma_start3A_73 = tpu.memref_slice %arg5[%dma_start3A_71, %dma_start3A_72] : memref<12x128xf32, #tpu.memory_space<hbm>> -> memref<1x128xf32, #tpu.memory_space<hbm>>
    %dma_start3A_74 = arith.constant 0 : i32
    %dma_start3A_75 = tpu.memref_slice %arg4[%add3A_70, %dma_start3A_74] : memref<524288x128xf32, #tpu.memory_space<hbm>> -> memref<1x128xf32, #tpu.memory_space<hbm>>
    tpu.enqueue_dma source(%dma_start3A_75 : memref<1x128xf32, #tpu.memory_space<hbm>>) target(%dma_start3A_73 : memref<1x128xf32, #tpu.memory_space<hbm>>) target_semaphore(%arg9 : memref<!tpu.dma_semaphore, #tpu.memory_space<semaphore_mem>>)
    %get3A_76 = arith.constant 1 : i32
    %get3A_77 = arith.index_cast %get3A_76 : i32 to index
    %get3A_78 = memref.load %arg6[%get3A_77] : memref<4xi32, #tpu.memory_space<smem>>
    %mul3A_79 = arith.constant 8192 : i32
    %mul3A_80 = arith.muli %get3A_78, %mul3A_79 : i32
    %get3A_81 = arith.constant 1 : i32
    %get3A_82 = arith.index_cast %get3A_81 : i32 to index
    %get3A_83 = memref.load %arg7[%get3A_82] : memref<3xi32, #tpu.memory_space<smem>>
    %mul3A_84 = arith.constant 64 : i32
    %mul3A_85 = arith.muli %get3A_83, %mul3A_84 : i32
    %add3A_86 = arith.addi %mul3A_80, %mul3A_85 : i32
    %get3A_87 = arith.constant 4 : i32
    %get3A_88 = arith.index_cast %get3A_87 : i32 to index
    %get3A_89 = memref.load %arg8[%get3A_88] : memref<12xi32, #tpu.memory_space<smem>>
    %add3A_90 = arith.addi %add3A_86, %get3A_89 : i32
    %dma_start3A_91 = arith.constant 4 : i32
    %dma_start3A_92 = arith.constant 0 : i32
    %dma_start3A_93 = tpu.memref_slice %arg5[%dma_start3A_91, %dma_start3A_92] : memref<12x128xf32, #tpu.memory_space<hbm>> -> memref<1x128xf32, #tpu.memory_space<hbm>>
    %dma_start3A_94 = arith.constant 0 : i32
    %dma_start3A_95 = tpu.memref_slice %arg4[%add3A_90, %dma_start3A_94] : memref<524288x128xf32, #tpu.memory_space<hbm>> -> memref<1x128xf32, #tpu.memory_space<hbm>>
    tpu.enqueue_dma source(%dma_start3A_95 : memref<1x128xf32, #tpu.memory_space<hbm>>) target(%dma_start3A_93 : memref<1x128xf32, #tpu.memory_space<hbm>>) target_semaphore(%arg9 : memref<!tpu.dma_semaphore, #tpu.memory_space<semaphore_mem>>)
    %get3A_96 = arith.constant 1 : i32
    %get3A_97 = arith.index_cast %get3A_96 : i32 to index
    %get3A_98 = memref.load %arg6[%get3A_97] : memref<4xi32, #tpu.memory_space<smem>>
    %mul3A_99 = arith.constant 8192 : i32
    %mul3A_100 = arith.muli %get3A_98, %mul3A_99 : i32
    %get3A_101 = arith.constant 2 : i32
    %get3A_102 = arith.index_cast %get3A_101 : i32 to index
    %get3A_103 = memref.load %arg7[%get3A_102] : memref<3xi32, #tpu.memory_space<smem>>
    %mul3A_104 = arith.constant 64 : i32
    %mul3A_105 = arith.muli %get3A_103, %mul3A_104 : i32
    %add3A_106 = arith.addi %mul3A_100, %mul3A_105 : i32
    %get3A_107 = arith.constant 5 : i32
    %get3A_108 = arith.index_cast %get3A_107 : i32 to index
    %get3A_109 = memref.load %arg8[%get3A_108] : memref<12xi32, #tpu.memory_space<smem>>
    %add3A_110 = arith.addi %add3A_106, %get3A_109 : i32
    %dma_start3A_111 = arith.constant 5 : i32
    %dma_start3A_112 = arith.constant 0 : i32
    %dma_start3A_113 = tpu.memref_slice %arg5[%dma_start3A_111, %dma_start3A_112] : memref<12x128xf32, #tpu.memory_space<hbm>> -> memref<1x128xf32, #tpu.memory_space<hbm>>
    %dma_start3A_114 = arith.constant 0 : i32
    %dma_start3A_115 = tpu.memref_slice %arg4[%add3A_110, %dma_start3A_114] : memref<524288x128xf32, #tpu.memory_space<hbm>> -> memref<1x128xf32, #tpu.memory_space<hbm>>
    tpu.enqueue_dma source(%dma_start3A_115 : memref<1x128xf32, #tpu.memory_space<hbm>>) target(%dma_start3A_113 : memref<1x128xf32, #tpu.memory_space<hbm>>) target_semaphore(%arg9 : memref<!tpu.dma_semaphore, #tpu.memory_space<semaphore_mem>>)
    %get3A_116 = arith.constant 2 : i32
    %get3A_117 = arith.index_cast %get3A_116 : i32 to index
    %get3A_118 = memref.load %arg6[%get3A_117] : memref<4xi32, #tpu.memory_space<smem>>
    %mul3A_119 = arith.constant 8192 : i32
    %mul3A_120 = arith.muli %get3A_118, %mul3A_119 : i32
    %get3A_121 = arith.constant 0 : i32
    %get3A_122 = arith.index_cast %get3A_121 : i32 to index
    %get3A_123 = memref.load %arg7[%get3A_122] : memref<3xi32, #tpu.memory_space<smem>>
    %mul3A_124 = arith.constant 64 : i32
    %mul3A_125 = arith.muli %get3A_123, %mul3A_124 : i32
    %add3A_126 = arith.addi %mul3A_120, %mul3A_125 : i32
    %get3A_127 = arith.constant 6 : i32
    %get3A_128 = arith.index_cast %get3A_127 : i32 to index
    %get3A_129 = memref.load %arg8[%get3A_128] : memref<12xi32, #tpu.memory_space<smem>>
    %add3A_130 = arith.addi %add3A_126, %get3A_129 : i32
    %dma_start3A_131 = arith.constant 6 : i32
    %dma_start3A_132 = arith.constant 0 : i32
    %dma_start3A_133 = tpu.memref_slice %arg5[%dma_start3A_131, %dma_start3A_132] : memref<12x128xf32, #tpu.memory_space<hbm>> -> memref<1x128xf32, #tpu.memory_space<hbm>>
    %dma_start3A_134 = arith.constant 0 : i32
    %dma_start3A_135 = tpu.memref_slice %arg4[%add3A_130, %dma_start3A_134] : memref<524288x128xf32, #tpu.memory_space<hbm>> -> memref<1x128xf32, #tpu.memory_space<hbm>>
    tpu.enqueue_dma source(%dma_start3A_135 : memref<1x128xf32, #tpu.memory_space<hbm>>) target(%dma_start3A_133 : memref<1x128xf32, #tpu.memory_space<hbm>>) target_semaphore(%arg9 : memref<!tpu.dma_semaphore, #tpu.memory_space<semaphore_mem>>)
    %get3A_136 = arith.constant 2 : i32
    %get3A_137 = arith.index_cast %get3A_136 : i32 to index
    %get3A_138 = memref.load %arg6[%get3A_137] : memref<4xi32, #tpu.memory_space<smem>>
    %mul3A_139 = arith.constant 8192 : i32
    %mul3A_140 = arith.muli %get3A_138, %mul3A_139 : i32
    %get3A_141 = arith.constant 1 : i32
    %get3A_142 = arith.index_cast %get3A_141 : i32 to index
    %get3A_143 = memref.load %arg7[%get3A_142] : memref<3xi32, #tpu.memory_space<smem>>
    %mul3A_144 = arith.constant 64 : i32
    %mul3A_145 = arith.muli %get3A_143, %mul3A_144 : i32
    %add3A_146 = arith.addi %mul3A_140, %mul3A_145 : i32
    %get3A_147 = arith.constant 7 : i32
    %get3A_148 = arith.index_cast %get3A_147 : i32 to index
    %get3A_149 = memref.load %arg8[%get3A_148] : memref<12xi32, #tpu.memory_space<smem>>
    %add3A_150 = arith.addi %add3A_146, %get3A_149 : i32
    %dma_start3A_151 = arith.constant 7 : i32
    %dma_start3A_152 = arith.constant 0 : i32
    %dma_start3A_153 = tpu.memref_slice %arg5[%dma_start3A_151, %dma_start3A_152] : memref<12x128xf32, #tpu.memory_space<hbm>> -> memref<1x128xf32, #tpu.memory_space<hbm>>
    %dma_start3A_154 = arith.constant 0 : i32
    %dma_start3A_155 = tpu.memref_slice %arg4[%add3A_150, %dma_start3A_154] : memref<524288x128xf32, #tpu.memory_space<hbm>> -> memref<1x128xf32, #tpu.memory_space<hbm>>
    tpu.enqueue_dma source(%dma_start3A_155 : memref<1x128xf32, #tpu.memory_space<hbm>>) target(%dma_start3A_153 : memref<1x128xf32, #tpu.memory_space<hbm>>) target_semaphore(%arg9 : memref<!tpu.dma_semaphore, #tpu.memory_space<semaphore_mem>>)
    %get3A_156 = arith.constant 2 : i32
    %get3A_157 = arith.index_cast %get3A_156 : i32 to index
    %get3A_158 = memref.load %arg6[%get3A_157] : memref<4xi32, #tpu.memory_space<smem>>
    %mul3A_159 = arith.constant 8192 : i32
    %mul3A_160 = arith.muli %get3A_158, %mul3A_159 : i32
    %get3A_161 = arith.constant 2 : i32
    %get3A_162 = arith.index_cast %get3A_161 : i32 to index
    %get3A_163 = memref.load %arg7[%get3A_162] : memref<3xi32, #tpu.memory_space<smem>>
    %mul3A_164 = arith.constant 64 : i32
    %mul3A_165 = arith.muli %get3A_163, %mul3A_164 : i32
    %add3A_166 = arith.addi %mul3A_160, %mul3A_165 : i32
    %get3A_167 = arith.constant 8 : i32
    %get3A_168 = arith.index_cast %get3A_167 : i32 to index
    %get3A_169 = memref.load %arg8[%get3A_168] : memref<12xi32, #tpu.memory_space<smem>>
    %add3A_170 = arith.addi %add3A_166, %get3A_169 : i32
    %dma_start3A_171 = arith.constant 8 : i32
    %dma_start3A_172 = arith.constant 0 : i32
    %dma_start3A_173 = tpu.memref_slice %arg5[%dma_start3A_171, %dma_start3A_172] : memref<12x128xf32, #tpu.memory_space<hbm>> -> memref<1x128xf32, #tpu.memory_space<hbm>>
    %dma_start3A_174 = arith.constant 0 : i32
    %dma_start3A_175 = tpu.memref_slice %arg4[%add3A_170, %dma_start3A_174] : memref<524288x128xf32, #tpu.memory_space<hbm>> -> memref<1x128xf32, #tpu.memory_space<hbm>>
    tpu.enqueue_dma source(%dma_start3A_175 : memref<1x128xf32, #tpu.memory_space<hbm>>) target(%dma_start3A_173 : memref<1x128xf32, #tpu.memory_space<hbm>>) target_semaphore(%arg9 : memref<!tpu.dma_semaphore, #tpu.memory_space<semaphore_mem>>)
    %get3A_176 = arith.constant 3 : i32
    %get3A_177 = arith.index_cast %get3A_176 : i32 to index
    %get3A_178 = memref.load %arg6[%get3A_177] : memref<4xi32, #tpu.memory_space<smem>>
    %mul3A_179 = arith.constant 8192 : i32
    %mul3A_180 = arith.muli %get3A_178, %mul3A_179 : i32
    %get3A_181 = arith.constant 0 : i32
    %get3A_182 = arith.index_cast %get3A_181 : i32 to index
    %get3A_183 = memref.load %arg7[%get3A_182] : memref<3xi32, #tpu.memory_space<smem>>
    %mul3A_184 = arith.constant 64 : i32
    %mul3A_185 = arith.muli %get3A_183, %mul3A_184 : i32
    %add3A_186 = arith.addi %mul3A_180, %mul3A_185 : i32
    %get3A_187 = arith.constant 9 : i32
    %get3A_188 = arith.index_cast %get3A_187 : i32 to index
    %get3A_189 = memref.load %arg8[%get3A_188] : memref<12xi32, #tpu.memory_space<smem>>
    %add3A_190 = arith.addi %add3A_186, %get3A_189 : i32
    %dma_start3A_191 = arith.constant 9 : i32
    %dma_start3A_192 = arith.constant 0 : i32
    %dma_start3A_193 = tpu.memref_slice %arg5[%dma_start3A_191, %dma_start3A_192] : memref<12x128xf32, #tpu.memory_space<hbm>> -> memref<1x128xf32, #tpu.memory_space<hbm>>
    %dma_start3A_194 = arith.constant 0 : i32
    %dma_start3A_195 = tpu.memref_slice %arg4[%add3A_190, %dma_start3A_194] : memref<524288x128xf32, #tpu.memory_space<hbm>> -> memref<1x128xf32, #tpu.memory_space<hbm>>
    tpu.enqueue_dma source(%dma_start3A_195 : memref<1x128xf32, #tpu.memory_space<hbm>>) target(%dma_start3A_193 : memref<1x128xf32, #tpu.memory_space<hbm>>) target_semaphore(%arg9 : memref<!tpu.dma_semaphore, #tpu.memory_space<semaphore_mem>>)
    %get3A_196 = arith.constant 3 : i32
    %get3A_197 = arith.index_cast %get3A_196 : i32 to index
    %get3A_198 = memref.load %arg6[%get3A_197] : memref<4xi32, #tpu.memory_space<smem>>
    %mul3A_199 = arith.constant 8192 : i32
    %mul3A_200 = arith.muli %get3A_198, %mul3A_199 : i32
    %get3A_201 = arith.constant 1 : i32
    %get3A_202 = arith.index_cast %get3A_201 : i32 to index
    %get3A_203 = memref.load %arg7[%get3A_202] : memref<3xi32, #tpu.memory_space<smem>>
    %mul3A_204 = arith.constant 64 : i32
    %mul3A_205 = arith.muli %get3A_203, %mul3A_204 : i32
    %add3A_206 = arith.addi %mul3A_200, %mul3A_205 : i32
    %get3A_207 = arith.constant 10 : i32
    %get3A_208 = arith.index_cast %get3A_207 : i32 to index
    %get3A_209 = memref.load %arg8[%get3A_208] : memref<12xi32, #tpu.memory_space<smem>>
    %add3A_210 = arith.addi %add3A_206, %get3A_209 : i32
    %dma_start3A_211 = arith.constant 10 : i32
    %dma_start3A_212 = arith.constant 0 : i32
    %dma_start3A_213 = tpu.memref_slice %arg5[%dma_start3A_211, %dma_start3A_212] : memref<12x128xf32, #tpu.memory_space<hbm>> -> memref<1x128xf32, #tpu.memory_space<hbm>>
    %dma_start3A_214 = arith.constant 0 : i32
    %dma_start3A_215 = tpu.memref_slice %arg4[%add3A_210, %dma_start3A_214] : memref<524288x128xf32, #tpu.memory_space<hbm>> -> memref<1x128xf32, #tpu.memory_space<hbm>>
    tpu.enqueue_dma source(%dma_start3A_215 : memref<1x128xf32, #tpu.memory_space<hbm>>) target(%dma_start3A_213 : memref<1x128xf32, #tpu.memory_space<hbm>>) target_semaphore(%arg9 : memref<!tpu.dma_semaphore, #tpu.memory_space<semaphore_mem>>)
    %get3A_216 = arith.constant 3 : i32
    %get3A_217 = arith.index_cast %get3A_216 : i32 to index
    %get3A_218 = memref.load %arg6[%get3A_217] : memref<4xi32, #tpu.memory_space<smem>>
    %mul3A_219 = arith.constant 8192 : i32
    %mul3A_220 = arith.muli %get3A_218, %mul3A_219 : i32
    %get3A_221 = arith.constant 2 : i32
    %get3A_222 = arith.index_cast %get3A_221 : i32 to index
    %get3A_223 = memref.load %arg7[%get3A_222] : memref<3xi32, #tpu.memory_space<smem>>
    %mul3A_224 = arith.constant 64 : i32
    %mul3A_225 = arith.muli %get3A_223, %mul3A_224 : i32
    %add3A_226 = arith.addi %mul3A_220, %mul3A_225 : i32
    %get3A_227 = arith.constant 11 : i32
    %get3A_228 = arith.index_cast %get3A_227 : i32 to index
    %get3A_229 = memref.load %arg8[%get3A_228] : memref<12xi32, #tpu.memory_space<smem>>
    %add3A_230 = arith.addi %add3A_226, %get3A_229 : i32
    %dma_start3A_231 = arith.constant 11 : i32
    %dma_start3A_232 = arith.constant 0 : i32
    %dma_start3A_233 = tpu.memref_slice %arg5[%dma_start3A_231, %dma_start3A_232] : memref<12x128xf32, #tpu.memory_space<hbm>> -> memref<1x128xf32, #tpu.memory_space<hbm>>
    %dma_start3A_234 = arith.constant 0 : i32
    %dma_start3A_235 = tpu.memref_slice %arg4[%add3A_230, %dma_start3A_234] : memref<524288x128xf32, #tpu.memory_space<hbm>> -> memref<1x128xf32, #tpu.memory_space<hbm>>
    tpu.enqueue_dma source(%dma_start3A_235 : memref<1x128xf32, #tpu.memory_space<hbm>>) target(%dma_start3A_233 : memref<1x128xf32, #tpu.memory_space<hbm>>) target_semaphore(%arg9 : memref<!tpu.dma_semaphore, #tpu.memory_space<semaphore_mem>>)
    %dma_wait3A = arith.constant 0 : i32
    %dma_wait3A_236 = arith.constant 0 : i32
    %dma_wait3A_237 = tpu.memref_slice %arg5[%dma_wait3A, %dma_wait3A_236] : memref<12x128xf32, #tpu.memory_space<hbm>> -> memref<1x128xf32, #tpu.memory_space<hbm>>
    %dma_wait3A_238 = arith.constant 0 : i32
    %dma_wait3A_239 = tpu.memref_slice %arg4[%add3A_11, %dma_wait3A_238] : memref<524288x128xf32, #tpu.memory_space<hbm>> -> memref<1x128xf32, #tpu.memory_space<hbm>>
    tpu.wait_dma2 semaphore(%arg9 : memref<!tpu.dma_semaphore, #tpu.memory_space<semaphore_mem>>) src(%dma_wait3A_239 : memref<1x128xf32, #tpu.memory_space<hbm>>) dst(%dma_wait3A_237 : memref<1x128xf32, #tpu.memory_space<hbm>>)
    %dma_wait3A_240 = arith.constant 1 : i32
    %dma_wait3A_241 = arith.constant 0 : i32
    %dma_wait3A_242 = tpu.memref_slice %arg5[%dma_wait3A_240, %dma_wait3A_241] : memref<12x128xf32, #tpu.memory_space<hbm>> -> memref<1x128xf32, #tpu.memory_space<hbm>>
    %dma_wait3A_243 = arith.constant 0 : i32
    %dma_wait3A_244 = tpu.memref_slice %arg4[%add3A_30, %dma_wait3A_243] : memref<524288x128xf32, #tpu.memory_space<hbm>> -> memref<1x128xf32, #tpu.memory_space<hbm>>
    tpu.wait_dma2 semaphore(%arg9 : memref<!tpu.dma_semaphore, #tpu.memory_space<semaphore_mem>>) src(%dma_wait3A_244 : memref<1x128xf32, #tpu.memory_space<hbm>>) dst(%dma_wait3A_242 : memref<1x128xf32, #tpu.memory_space<hbm>>)
    %dma_wait3A_245 = arith.constant 2 : i32
    %dma_wait3A_246 = arith.constant 0 : i32
    %dma_wait3A_247 = tpu.memref_slice %arg5[%dma_wait3A_245, %dma_wait3A_246] : memref<12x128xf32, #tpu.memory_space<hbm>> -> memref<1x128xf32, #tpu.memory_space<hbm>>
    %dma_wait3A_248 = arith.constant 0 : i32
    %dma_wait3A_249 = tpu.memref_slice %arg4[%add3A_50, %dma_wait3A_248] : memref<524288x128xf32, #tpu.memory_space<hbm>> -> memref<1x128xf32, #tpu.memory_space<hbm>>
    tpu.wait_dma2 semaphore(%arg9 : memref<!tpu.dma_semaphore, #tpu.memory_space<semaphore_mem>>) src(%dma_wait3A_249 : memref<1x128xf32, #tpu.memory_space<hbm>>) dst(%dma_wait3A_247 : memref<1x128xf32, #tpu.memory_space<hbm>>)
    %dma_wait3A_250 = arith.constant 3 : i32
    %dma_wait3A_251 = arith.constant 0 : i32
    %dma_wait3A_252 = tpu.memref_slice %arg5[%dma_wait3A_250, %dma_wait3A_251] : memref<12x128xf32, #tpu.memory_space<hbm>> -> memref<1x128xf32, #tpu.memory_space<hbm>>
    %dma_wait3A_253 = arith.constant 0 : i32
    %dma_wait3A_254 = tpu.memref_slice %arg4[%add3A_70, %dma_wait3A_253] : memref<524288x128xf32, #tpu.memory_space<hbm>> -> memref<1x128xf32, #tpu.memory_space<hbm>>
    tpu.wait_dma2 semaphore(%arg9 : memref<!tpu.dma_semaphore, #tpu.memory_space<semaphore_mem>>) src(%dma_wait3A_254 : memref<1x128xf32, #tpu.memory_space<hbm>>) dst(%dma_wait3A_252 : memref<1x128xf32, #tpu.memory_space<hbm>>)
    %dma_wait3A_255 = arith.constant 4 : i32
    %dma_wait3A_256 = arith.constant 0 : i32
    %dma_wait3A_257 = tpu.memref_slice %arg5[%dma_wait3A_255, %dma_wait3A_256] : memref<12x128xf32, #tpu.memory_space<hbm>> -> memref<1x128xf32, #tpu.memory_space<hbm>>
    %dma_wait3A_258 = arith.constant 0 : i32
    %dma_wait3A_259 = tpu.memref_slice %arg4[%add3A_90, %dma_wait3A_258] : memref<524288x128xf32, #tpu.memory_space<hbm>> -> memref<1x128xf32, #tpu.memory_space<hbm>>
    tpu.wait_dma2 semaphore(%arg9 : memref<!tpu.dma_semaphore, #tpu.memory_space<semaphore_mem>>) src(%dma_wait3A_259 : memref<1x128xf32, #tpu.memory_space<hbm>>) dst(%dma_wait3A_257 : memref<1x128xf32, #tpu.memory_space<hbm>>)
    %dma_wait3A_260 = arith.constant 5 : i32
    %dma_wait3A_261 = arith.constant 0 : i32
    %dma_wait3A_262 = tpu.memref_slice %arg5[%dma_wait3A_260, %dma_wait3A_261] : memref<12x128xf32, #tpu.memory_space<hbm>> -> memref<1x128xf32, #tpu.memory_space<hbm>>
    %dma_wait3A_263 = arith.constant 0 : i32
    %dma_wait3A_264 = tpu.memref_slice %arg4[%add3A_110, %dma_wait3A_263] : memref<524288x128xf32, #tpu.memory_space<hbm>> -> memref<1x128xf32, #tpu.memory_space<hbm>>
    tpu.wait_dma2 semaphore(%arg9 : memref<!tpu.dma_semaphore, #tpu.memory_space<semaphore_mem>>) src(%dma_wait3A_264 : memref<1x128xf32, #tpu.memory_space<hbm>>) dst(%dma_wait3A_262 : memref<1x128xf32, #tpu.memory_space<hbm>>)
    %dma_wait3A_265 = arith.constant 6 : i32
    %dma_wait3A_266 = arith.constant 0 : i32
    %dma_wait3A_267 = tpu.memref_slice %arg5[%dma_wait3A_265, %dma_wait3A_266] : memref<12x128xf32, #tpu.memory_space<hbm>> -> memref<1x128xf32, #tpu.memory_space<hbm>>
    %dma_wait3A_268 = arith.constant 0 : i32
    %dma_wait3A_269 = tpu.memref_slice %arg4[%add3A_130, %dma_wait3A_268] : memref<524288x128xf32, #tpu.memory_space<hbm>> -> memref<1x128xf32, #tpu.memory_space<hbm>>
    tpu.wait_dma2 semaphore(%arg9 : memref<!tpu.dma_semaphore, #tpu.memory_space<semaphore_mem>>) src(%dma_wait3A_269 : memref<1x128xf32, #tpu.memory_space<hbm>>) dst(%dma_wait3A_267 : memref<1x128xf32, #tpu.memory_space<hbm>>)
    %dma_wait3A_270 = arith.constant 7 : i32
    %dma_wait3A_271 = arith.constant 0 : i32
    %dma_wait3A_272 = tpu.memref_slice %arg5[%dma_wait3A_270, %dma_wait3A_271] : memref<12x128xf32, #tpu.memory_space<hbm>> -> memref<1x128xf32, #tpu.memory_space<hbm>>
    %dma_wait3A_273 = arith.constant 0 : i32
    %dma_wait3A_274 = tpu.memref_slice %arg4[%add3A_150, %dma_wait3A_273] : memref<524288x128xf32, #tpu.memory_space<hbm>> -> memref<1x128xf32, #tpu.memory_space<hbm>>
    tpu.wait_dma2 semaphore(%arg9 : memref<!tpu.dma_semaphore, #tpu.memory_space<semaphore_mem>>) src(%dma_wait3A_274 : memref<1x128xf32, #tpu.memory_space<hbm>>) dst(%dma_wait3A_272 : memref<1x128xf32, #tpu.memory_space<hbm>>)
    %dma_wait3A_275 = arith.constant 8 : i32
    %dma_wait3A_276 = arith.constant 0 : i32
    %dma_wait3A_277 = tpu.memref_slice %arg5[%dma_wait3A_275, %dma_wait3A_276] : memref<12x128xf32, #tpu.memory_space<hbm>> -> memref<1x128xf32, #tpu.memory_space<hbm>>
    %dma_wait3A_278 = arith.constant 0 : i32
    %dma_wait3A_279 = tpu.memref_slice %arg4[%add3A_170, %dma_wait3A_278] : memref<524288x128xf32, #tpu.memory_space<hbm>> -> memref<1x128xf32, #tpu.memory_space<hbm>>
    tpu.wait_dma2 semaphore(%arg9 : memref<!tpu.dma_semaphore, #tpu.memory_space<semaphore_mem>>) src(%dma_wait3A_279 : memref<1x128xf32, #tpu.memory_space<hbm>>) dst(%dma_wait3A_277 : memref<1x128xf32, #tpu.memory_space<hbm>>)
    %dma_wait3A_280 = arith.constant 9 : i32
    %dma_wait3A_281 = arith.constant 0 : i32
    %dma_wait3A_282 = tpu.memref_slice %arg5[%dma_wait3A_280, %dma_wait3A_281] : memref<12x128xf32, #tpu.memory_space<hbm>> -> memref<1x128xf32, #tpu.memory_space<hbm>>
    %dma_wait3A_283 = arith.constant 0 : i32
    %dma_wait3A_284 = tpu.memref_slice %arg4[%add3A_190, %dma_wait3A_283] : memref<524288x128xf32, #tpu.memory_space<hbm>> -> memref<1x128xf32, #tpu.memory_space<hbm>>
    tpu.wait_dma2 semaphore(%arg9 : memref<!tpu.dma_semaphore, #tpu.memory_space<semaphore_mem>>) src(%dma_wait3A_284 : memref<1x128xf32, #tpu.memory_space<hbm>>) dst(%dma_wait3A_282 : memref<1x128xf32, #tpu.memory_space<hbm>>)
    %dma_wait3A_285 = arith.constant 10 : i32
    %dma_wait3A_286 = arith.constant 0 : i32
    %dma_wait3A_287 = tpu.memref_slice %arg5[%dma_wait3A_285, %dma_wait3A_286] : memref<12x128xf32, #tpu.memory_space<hbm>> -> memref<1x128xf32, #tpu.memory_space<hbm>>
    %dma_wait3A_288 = arith.constant 0 : i32
    %dma_wait3A_289 = tpu.memref_slice %arg4[%add3A_210, %dma_wait3A_288] : memref<524288x128xf32, #tpu.memory_space<hbm>> -> memref<1x128xf32, #tpu.memory_space<hbm>>
    tpu.wait_dma2 semaphore(%arg9 : memref<!tpu.dma_semaphore, #tpu.memory_space<semaphore_mem>>) src(%dma_wait3A_289 : memref<1x128xf32, #tpu.memory_space<hbm>>) dst(%dma_wait3A_287 : memref<1x128xf32, #tpu.memory_space<hbm>>)
    %dma_wait3A_290 = arith.constant 11 : i32
    %dma_wait3A_291 = arith.constant 0 : i32
    %dma_wait3A_292 = tpu.memref_slice %arg5[%dma_wait3A_290, %dma_wait3A_291] : memref<12x128xf32, #tpu.memory_space<hbm>> -> memref<1x128xf32, #tpu.memory_space<hbm>>
    %dma_wait3A_293 = arith.constant 0 : i32
    %dma_wait3A_294 = tpu.memref_slice %arg4[%add3A_230, %dma_wait3A_293] : memref<524288x128xf32, #tpu.memory_space<hbm>> -> memref<1x128xf32, #tpu.memory_space<hbm>>
    tpu.wait_dma2 semaphore(%arg9 : memref<!tpu.dma_semaphore, #tpu.memory_space<semaphore_mem>>) src(%dma_wait3A_294 : memref<1x128xf32, #tpu.memory_space<hbm>>) dst(%dma_wait3A_292 : memref<1x128xf32, #tpu.memory_space<hbm>>)
    return
  }
}

</mosaic_0001>

<sc_bundles>
// kernel: kernel.3.cloned.1.call-start
scs
__scs_entry_jumppad:
0x0: {  	(pc) =	sbr.rel $0x88, $3  }
0x1: {  	(tag) =	ssettag $0x0;
	lr =	simm.s32 $0x1  }
0x2: {  	[smem:$0x3F9D] =	sst lr;
	_ =	strace $0xD0000000  }
0x3: {  	_ = 	snop  }
0x4: {  	_ = 	snop  }
0x5: {  	_ = 	snop  }
0x6: {  	_ = 	snop  }
0x7: {  	_ = 	snop  }
__scs_overlays_trampoline_lowered:
0x8: {  	[smem:$0x3FAC] =	sst s0  }
0x9: {  	[smem:$0x3FAD] =	sst s1  }
0xa: {  	[smem:$0x3FAE] =	sst s2  }
0xb: {  	[smem:$0x3FAF] =	sst s3  }
0xc: {  	[smem:$0x3FB0] =	sst s4  }
0xd: {  	[smem:$0x3FB1] =	sst s5  }
0xe: {  	[smem:$0x3FB2] =	sst s6  }
0xf: {  	[smem:$0x3FB3] =	sst s7  }
0x10: {  	[smem:$0x3FB4] =	sst s8  }
0x11: {  	[smem:$0x3FB5] =	sst s9;
	s0 =	simm.s32 @!p0 $0x0  }
0x12: {  	s1 =	sld [smem:$0x3F9B];
	s0 =	simm.s32 @p0 $0x1  }
0x13: {  	[smem:$0x3FB6] =	sst s0;
	s0 =	simm.s32 @!p1 $0x0  }
0x14: {  	s2 =	sld [smem:$0x3F9A];
	s0 =	simm.s32 @p1 $0x1  }
0x15: {  	[smem:$0x3FB7] =	sst s0;
	s0 =	simm.s32 @!p2 $0x0  }
0x16: {  	s3 =	sld [smem:$0x3FDB];
	s0 =	simm.s32 @p2 $0x1  }
0x17: {  	s4 =	simm.s32 $0x1BF5;
	[smem:$0x3FB9] =	sst s0  }
0x18: {  	s0 =	sld [smem:$0x3F9C];
	_ =	swait.ge [sflag:s4], $0x0  }
0x19: {  	s7 =	sld [smem:$0x3F9D]  }
0x1a: {  	s8 =	sadd.s32 $0xFFFFE003, lr  }
0x1b: {  	s9 =	sadd.s32 $0xFFFFFEF7, lr;
	s5 =	simm.s32 $0xFFFFFFFF;
	p2 =	slt.u32 s8, $0xFFFFF086  }
0x1c: {  	p1 =	slt.u32 s9, $0xF7A;
	s5 =	simm.s32 @!p2 $0x0  }
0x1d: {  	s5 =	simm.s32 @p1 $0x1;
	p0 =	seq.s32 s7, s2  }
0x1e: {  	s7 =	smul.u32 @!p0 $0xF7A, s2;
	p2 =	seq.s32 @!p0 s5, $0x0  }
0x1f: {  	s9 =	smul.u32 $0xF7A, s1;
	s8 =	simm.s32 @!p0 $0x1BF5;
	p2 =	por !p2, p0  }
0x20: {  	[sflag:s8] =	ssyncset.s32 @!p0 $0xFFFFF086;
	s6 =	sadd.s32 @!p0 s3, s7;
	s7 =	simm.s32 @!p0 $0x108  }
0x21: {  	s3 =	sadd.s32 s3, s9;
	s6 =	sadd.s32 @!p0 $0x88, s6;
	s7 =	simm.s32 @p2 $0x1082  }
0x22: {  	[simem:s7], [sflag:s8] =	dma.local @!p0 [hbm:s6], $0xF7A  }
0x23: {  	s9 =	sor.u32 $0xD0000000, s2;
	s6 =	simm.s32 $0x108;
	_ =	swait.ge @!p0 [sflag:s8], $0x0  }
0x24: {  	s3 =	sadd.s32 $0x88, s3;
	s6 =	simm.s32 @!p1 $0x1082;
	[sflag:s4] =	ssyncset.s32 $0xFFFFF086  }
0x25: {  	[simem:s6], [sflag:s4] =	dma.local [hbm:s3], $0xF7A  }
0x26: {  	[smem:$0x3F9D] =	sst s1;
	(tag) =	ssettag s2;
	_ =	strace s9  }
0x27: {  	s1 =	sld [smem:$0x3FAD]  }
0x28: {  	s2 =	sld [smem:$0x3FAE]  }
0x29: {  	s4 =	sld [smem:$0x3FB0]  }
0x2a: {  	p0 =	seq.s32 s5, $0x0;
	s5 =	sld [smem:$0x3FB1]  }
0x2b: {  	s6 =	sld [smem:$0x3FB2]  }
0x2c: {  	s7 =	sld [smem:$0x3FB3]  }
0x2d: {  	s3 =	simm.s32 $0x108;
	s8 =	sld [smem:$0x3FB4]  }
0x2e: {  	s3 =	simm.s32 @!p0 $0x1082;
	s9 =	sld [smem:$0x3FB5]  }
0x2f: {  	lr =	sadd.s32 s0, s3;
	s0 =	sld [smem:$0x3FAC]  }
0x30: {  	s3 =	sld [smem:$0x3FAF]  }
0x31: {  	[smem:$0x3FB8] =	sst s10  }
0x32: {  	s10 =	sld [smem:$0x3FB6];
	_ =	sdelay $0x3  }
0x33: {  	p0 =	seq.s32 s10, $0x1;
	s10 =	sld [smem:$0x3FB8];
	_ =	sdelay $0x3  }
0x34: {  	[smem:$0x3FB8] =	sst s10  }
0x35: {  	s10 =	sld [smem:$0x3FB7];
	_ =	sdelay $0x3  }
0x36: {  	p1 =	seq.s32 s10, $0x1;
	s10 =	sld [smem:$0x3FB8];
	_ =	sdelay $0x3  }
0x37: {  	[smem:$0x3FB8] =	sst s10  }
0x38: {  	s10 =	sld [smem:$0x3FB9]  }
0x39: {  	_ = 	snop;
	(pc) =	sbr.ind lr, $3  }
0x3a: {  	_ = 	snop  }
0x3b: {  	_ = 	snop  }
0x3c: {  	p2 =	seq.s32 s10, $0x1;
	s10 =	sld [smem:$0x3FB8]  }
0x3d: {  	_ =	shalt  }
0x3e: {  	_ =	shalt  }
0x3f: {  	_ =	shalt  }
0x40: {  	_ =	shalt  }
0x41: {  	_ =	shalt  }
0x42: {  	_ =	shalt  }
0x43: {  	_ =	shalt  }
0x44: {  	_ =	shalt  }
0x45: {  	_ =	shalt  }
0x46: {  	_ =	shalt  }
0x47: {  	_ =	shalt  }
0x48: {  	_ =	shalt  }
0x49: {  	_ =	shalt  }
0x4a: {  	_ =	shalt  }
0x4b: {  	_ =	shalt  }
0x4c: {  	_ =	shalt  }
0x4d: {  	_ =	shalt  }
0x4e: {  	_ =	shalt  }
0x4f: {  	_ =	shalt  }
0x50: {  	_ =	shalt  }
0x51: {  	_ =	shalt  }
0x52: {  	_ =	shalt  }
0x53: {  	_ =	shalt  }
0x54: {  	_ =	shalt  }
0x55: {  	_ =	shalt  }
0x56: {  	_ =	shalt  }
0x57: {  	_ =	shalt  }
0x58: {  	_ =	shalt  }
0x59: {  	_ =	shalt  }
0x5a: {  	_ =	shalt  }
0x5b: {  	_ =	shalt  }
0x5c: {  	_ =	shalt  }
0x5d: {  	_ =	shalt  }
0x5e: {  	_ =	shalt  }
0x5f: {  	_ =	shalt  }
0x60: {  	_ =	shalt  }
0x61: {  	_ =	shalt  }
0x62: {  	_ =	shalt  }
0x63: {  	_ =	shalt  }
0x64: {  	_ =	shalt  }
0x65: {  	_ =	shalt  }
0x66: {  	_ =	shalt  }
0x67: {  	_ =	shalt  }
0x68: {  	_ =	shalt  }
0x69: {  	_ =	shalt  }
0x6a: {  	_ =	shalt  }
0x6b: {  	_ =	shalt  }
0x6c: {  	_ =	shalt  }
0x6d: {  	_ =	shalt  }
0x6e: {  	_ =	shalt  }
0x6f: {  	_ =	shalt  }
0x70: {  	_ =	shalt  }
0x71: {  	_ =	shalt  }
0x72: {  	_ =	shalt  }
0x73: {  	_ =	shalt  }
0x74: {  	_ =	shalt  }
0x75: {  	_ =	shalt  }
0x76: {  	_ =	shalt  }
0x77: {  	_ =	shalt  }
0x78: {  	_ =	shalt  }
0x79: {  	_ =	shalt  }
0x7a: {  	_ =	shalt  }
0x7b: {  	_ =	shalt  }
0x7c: {  	_ =	shalt  }
0x7d: {  	_ =	shalt  }
0x7e: {  	_ =	shalt  }
0x7f: {  	_ =	shalt  }
0x80: {  	_ =	shalt  }
0x81: {  	_ =	shalt  }
0x82: {  	_ =	shalt  }
0x83: {  	_ =	shalt  }
0x84: {  	_ =	shalt  }
0x85: {  	_ =	shalt  }
0x86: {  	_ =	shalt  }
0x87: {  	_ =	shalt  }
.Lfunc_end0:
.L_simem_size_0:
called_computation_lowered:
.L_overlay_start_0:
0x88: {  	s0 =	sld [smem:$0x3FD9]  }
0x89: {  	s1 =	sld [smem:$0x3FFE];
	_ =	sdelay $0x3  }
0x8a: {  	s0 =	sadd.s32 s1, s0  }
0x8b: {  	s25 =	simm.s32 $0x0;
	[smem:$0x3FC4] =	sst s0  }
0x8c: {  	[smem:$0xF] =	sst s25  }
0x8d: {  	s1 =	sld [smem:$0x3FC9]  }
0x8e: {  	s3 =	sld [smem:$0x3FC8]  }
0x8f: {  	s4 =	sld [smem:$0x3FC7]  }
0x90: {  	s5 =	sld [smem:$0x3FD0];
	(tm) =	ssettm $0x1  }
0x91: {  	s26 =	sld [smem:$0x3FFB];
	_ =	sdelay $0x3  }
0x92: {  	_ =	strace s26  }
0x93: {  	s0 =	sld [smem:$0x3FFC];
	_ =	sdelay $0x3  }
0x94: {  	_ =	strace s0  }
0x95: {  	s0 =	sld [smem:$0x3FFD];
	_ =	sdelay $0x3  }
0x96: {  	_ =	strace s0  }
0x97: {  	s28 =	simm.s32 $0x1B8B;
	_ =	strace $0x8FFFFFFF  }
0x98: {  	_ =	swait.ge [sflag:s28], $0x1  }
0x99: {  	[sflag:s28] =	ssyncset.done $0x0  }
0x9a: {  	s29 =	simm.s32 $0x1B8E;
	[sflag:s28] =	ssyncadd.s32 $0xFFFFFFFF  }
0x9b: {  	s30 =	simm.s32 $0x9;
	[smem:$0x3FD2] =	sst s29  }
0x9c: {  	s6 =	simm.s32 $0x10;
	s2 =	sld [smem:$0x3FFE];
	_ =	strace $0x80000046  }
0x9d: {  	[smem:s6], [sflag:s30] =	dma.local [hbm:s3], $0x10  }
0x9e: {  	s31 =	simm.s32 $0x90;
	s6 =	simm.s32 $0x110  }
0x9f: {  	[smem:s31], [sflag:s30] =	dma.local [hbm:s4], $0x10  }
0xa0: {  	[smem:s6], [sflag:s30] =	dma.local [hbm:s5], $0x10  }
0xa1: {  	_ =	swait.ge [sflag:s30], $0x10  }
0xa2: {  	[sflag:s30] =	ssyncset.done $0x0  }
0xa3: {  	[sflag:s30] =	ssyncadd.s32 $0xFFFFFFF0;
	_ =	sdelay $0x2  }
0xa4: {  	_ =	swait.ge [sflag:s30], $0x10  }
0xa5: {  	[sflag:s30] =	ssyncset.done $0x0  }
0xa6: {  	[sflag:s30] =	ssyncadd.s32 $0xFFFFFFF0;
	_ =	sdelay $0x2  }
0xa7: {  	_ =	swait.ge [sflag:s30], $0x10  }
0xa8: {  	[sflag:s30] =	ssyncset.done $0x0  }
0xa9: {  	[sflag:s30] =	ssyncadd.s32 $0xFFFFFFF0  }
0xaa: {  	s7 =	sld [smem:$0x10]  }
0xab: {  	s8 =	sld [smem:$0x90];
	_ =	sdelay $0x1  }
0xac: {  	s9 =	sld [smem:$0x110];
	_ =	sdelay $0x1  }
0xad: {  	s10 =	sshll.u32 s7, $0xD;
	s11 =	sshll.u32 s8, $0x6  }
0xae: {  	s4 =	sadd.s32 s10, s11  }
0xaf: {  	s4 =	sadd.s32 s9, s4  }
0xb0: {  	s5 =	sshll.u32 s9, $0x7;
	s4 =	sshll.u32 s4, $0x7  }
0xb1: {  	s5 =	sand.u32 $0x380, s5;
	s4 =	sand.u32 $0xFFFFFC00, s4  }
0xb2: {  	s4 =	sor.u32 s5, s4  }
0xb3: {  	s4 =	sshrl.u32 s4, $0x3  }
0xb4: {  	s12 =	sadd.s32 $0x400, s2;
	s4 =	sadd.s32 s1, s4  }
0xb5: {  	[hbm:s12], [sflag:s30] =	dma.local [hbm:s4], $0x10  }
0xb6: {  	s4 =	sld [smem:$0x91];
	_ =	sdelay $0x1  }
0xb7: {  	s5 =	sld [smem:$0x111];
	_ =	sdelay $0x1  }
0xb8: {  	s4 =	sshll.u32 s4, $0x6  }
0xb9: {  	s7 =	sadd.s32 s10, s4  }
0xba: {  	s7 =	sadd.s32 s5, s7  }
0xbb: {  	s5 =	sshll.u32 s5, $0x7;
	s7 =	sshll.u32 s7, $0x7  }
0xbc: {  	s5 =	sand.u32 $0x380, s5;
	s7 =	sand.u32 $0xFFFFFC00, s7  }
0xbd: {  	s5 =	sor.u32 s5, s7  }
0xbe: {  	s5 =	sshrl.u32 s5, $0x3  }
0xbf: {  	s13 =	sadd.s32 $0x410, s2;
	s5 =	sadd.s32 s1, s5  }
0xc0: {  	[hbm:s13], [sflag:s30] =	dma.local [hbm:s5], $0x10  }
0xc1: {  	s5 =	sld [smem:$0x92];
	_ =	sdelay $0x1  }
0xc2: {  	s7 =	sld [smem:$0x112];
	_ =	sdelay $0x1  }
0xc3: {  	s5 =	sshll.u32 s5, $0x6  }
0xc4: {  	s6 =	sadd.s32 s10, s5  }
0xc5: {  	s6 =	sadd.s32 s7, s6  }
0xc6: {  	s7 =	sshll.u32 s7, $0x7;
	s6 =	sshll.u32 s6, $0x7  }
0xc7: {  	s7 =	sand.u32 $0x380, s7;
	s6 =	sand.u32 $0xFFFFFC00, s6  }
0xc8: {  	s6 =	sor.u32 s7, s6  }
0xc9: {  	s6 =	sshrl.u32 s6, $0x3  }
0xca: {  	s14 =	sadd.s32 $0x420, s2;
	s6 =	sadd.s32 s1, s6  }
0xcb: {  	[hbm:s14], [sflag:s30] =	dma.local [hbm:s6], $0x10  }
0xcc: {  	s6 =	sld [smem:$0x11];
	_ =	sdelay $0x1  }
0xcd: {  	s7 =	sld [smem:$0x113];
	_ =	sdelay $0x1  }
0xce: {  	s6 =	sshll.u32 s6, $0xD  }
0xcf: {  	s8 =	sadd.s32 s11, s6  }
0xd0: {  	s8 =	sadd.s32 s7, s8  }
0xd1: {  	s7 =	sshll.u32 s7, $0x7;
	s8 =	sshll.u32 s8, $0x7  }
0xd2: {  	s7 =	sand.u32 $0x380, s7;
	s8 =	sand.u32 $0xFFFFFC00, s8  }
0xd3: {  	s7 =	sor.u32 s7, s8  }
0xd4: {  	s7 =	sshrl.u32 s7, $0x3  }
0xd5: {  	s15 =	sadd.s32 $0x430, s2;
	s7 =	sadd.s32 s1, s7  }
0xd6: {  	[hbm:s15], [sflag:s30] =	dma.local [hbm:s7], $0x10  }
0xd7: {  	s7 =	sld [smem:$0x114];
	_ =	sdelay $0x2  }
0xd8: {  	s16 =	sadd.s32 s4, s6  }
0xd9: {  	s8 =	sadd.s32 s7, s16  }
0xda: {  	s7 =	sshll.u32 s7, $0x7;
	s8 =	sshll.u32 s8, $0x7  }
0xdb: {  	s7 =	sand.u32 $0x380, s7;
	s8 =	sand.u32 $0xFFFFFC00, s8  }
0xdc: {  	s7 =	sor.u32 s7, s8  }
0xdd: {  	s7 =	sshrl.u32 s7, $0x3  }
0xde: {  	s17 =	sadd.s32 $0x440, s2;
	s7 =	sadd.s32 s1, s7  }
0xdf: {  	[hbm:s17], [sflag:s30] =	dma.local [hbm:s7], $0x10  }
0xe0: {  	s7 =	sld [smem:$0x115];
	_ =	sdelay $0x2  }
0xe1: {  	s6 =	sadd.s32 s5, s6  }
0xe2: {  	s6 =	sadd.s32 s7, s6  }
0xe3: {  	s7 =	sshll.u32 s7, $0x7;
	s6 =	sshll.u32 s6, $0x7  }
0xe4: {  	s7 =	sand.u32 $0x380, s7;
	s6 =	sand.u32 $0xFFFFFC00, s6  }
0xe5: {  	s6 =	sor.u32 s7, s6  }
0xe6: {  	s6 =	sshrl.u32 s6, $0x3  }
0xe7: {  	s18 =	sadd.s32 $0x450, s2;
	s6 =	sadd.s32 s1, s6  }
0xe8: {  	[hbm:s18], [sflag:s30] =	dma.local [hbm:s6], $0x10  }
0xe9: {  	s6 =	sld [smem:$0x12];
	_ =	sdelay $0x1  }
0xea: {  	s7 =	sld [smem:$0x116];
	_ =	sdelay $0x1  }
0xeb: {  	s6 =	sshll.u32 s6, $0xD  }
0xec: {  	s19 =	sadd.s32 s11, s6  }
0xed: {  	s8 =	sadd.s32 s7, s19  }
0xee: {  	s7 =	sshll.u32 s7, $0x7;
	s8 =	sshll.u32 s8, $0x7  }
0xef: {  	s7 =	sand.u32 $0x380, s7;
	s8 =	sand.u32 $0xFFFFFC00, s8  }
0xf0: {  	s7 =	sor.u32 s7, s8  }
0xf1: {  	s7 =	sshrl.u32 s7, $0x3  }
0xf2: {  	s20 =	sadd.s32 $0x460, s2;
	s7 =	sadd.s32 s1, s7  }
0xf3: {  	[hbm:s20], [sflag:s30] =	dma.local [hbm:s7], $0x10  }
0xf4: {  	s7 =	sld [smem:$0x117];
	_ =	sdelay $0x2  }
0xf5: {  	s21 =	sadd.s32 s4, s6  }
0xf6: {  	s8 =	sadd.s32 s7, s21  }
0xf7: {  	s7 =	sshll.u32 s7, $0x7;
	s8 =	sshll.u32 s8, $0x7  }
0xf8: {  	s7 =	sand.u32 $0x380, s7;
	s8 =	sand.u32 $0xFFFFFC00, s8  }
0xf9: {  	s7 =	sor.u32 s7, s8  }
0xfa: {  	s7 =	sshrl.u32 s7, $0x3  }
0xfb: {  	s22 =	sadd.s32 $0x470, s2;
	s7 =	sadd.s32 s1, s7  }
0xfc: {  	[hbm:s22], [sflag:s30] =	dma.local [hbm:s7], $0x10  }
0xfd: {  	s7 =	sld [smem:$0x118];
	_ =	sdelay $0x2  }
0xfe: {  	s6 =	sadd.s32 s5, s6  }
0xff: {  	s6 =	sadd.s32 s7, s6  }
0x100: {  	s7 =	sshll.u32 s7, $0x7;
	s6 =	sshll.u32 s6, $0x7  }
0x101: {  	s7 =	sand.u32 $0x380, s7;
	s6 =	sand.u32 $0xFFFFFC00, s6  }
0x102: {  	s6 =	sor.u32 s7, s6  }
0x103: {  	s6 =	sshrl.u32 s6, $0x3  }
0x104: {  	s23 =	sadd.s32 $0x480, s2;
	s6 =	sadd.s32 s1, s6  }
0x105: {  	[hbm:s23], [sflag:s30] =	dma.local [hbm:s6], $0x10  }
0x106: {  	s6 =	sld [smem:$0x13];
	_ =	sdelay $0x1  }
0x107: {  	s7 =	sld [smem:$0x119];
	_ =	sdelay $0x1  }
0x108: {  	s6 =	sshll.u32 s6, $0xD  }
0x109: {  	s3 =	sadd.s32 s11, s6  }
0x10a: {  	s3 =	sadd.s32 s7, s3  }
0x10b: {  	s7 =	sshll.u32 s7, $0x7;
	s3 =	sshll.u32 s3, $0x7  }
0x10c: {  	s7 =	sand.u32 $0x380, s7;
	s3 =	sand.u32 $0xFFFFFC00, s3  }
0x10d: {  	s3 =	sor.u32 s7, s3  }
0x10e: {  	s3 =	sshrl.u32 s3, $0x3  }
0x10f: {  	s24 =	sadd.s32 $0x490, s2;
	s3 =	sadd.s32 s1, s3  }
0x110: {  	[hbm:s24], [sflag:s30] =	dma.local [hbm:s3], $0x10  }
0x111: {  	s3 =	sld [smem:$0x11A];
	_ =	sdelay $0x2  }
0x112: {  	s4 =	sadd.s32 s4, s6  }
0x113: {  	s4 =	sadd.s32 s3, s4  }
0x114: {  	s3 =	sshll.u32 s3, $0x7;
	s4 =	sshll.u32 s4, $0x7  }
0x115: {  	s3 =	sand.u32 $0x380, s3;
	s4 =	sand.u32 $0xFFFFFC00, s4  }
0x116: {  	s3 =	sor.u32 s3, s4  }
0x117: {  	s3 =	sshrl.u32 s3, $0x3  }
0x118: {  	s25 =	sadd.s32 $0x4A0, s2;
	s3 =	sadd.s32 s1, s3  }
0x119: {  	[hbm:s25], [sflag:s30] =	dma.local [hbm:s3], $0x10  }
0x11a: {  	s3 =	sld [smem:$0x11B];
	_ =	sdelay $0x2  }
0x11b: {  	s26 =	sadd.s32 s5, s6  }
0x11c: {  	s4 =	sadd.s32 s3, s26  }
0x11d: {  	s3 =	sshll.u32 s3, $0x7;
	s4 =	sshll.u32 s4, $0x7  }
0x11e: {  	s3 =	sand.u32 $0x380, s3;
	s4 =	sand.u32 $0xFFFFFC00, s4  }
0x11f: {  	s3 =	sor.u32 s3, s4  }
0x120: {  	s3 =	sshrl.u32 s3, $0x3  }
0x121: {  	s2 =	sadd.s32 $0x4B0, s2;
	s1 =	sadd.s32 s1, s3  }
0x122: {  	[hbm:s2], [sflag:s30] =	dma.local [hbm:s1], $0x10  }
0x123: {  	_ =	swait.ge [sflag:s30], $0x10  }
0x124: {  	[sflag:s30] =	ssyncset.done $0x0  }
0x125: {  	[sflag:s30] =	ssyncadd.s32 $0xFFFFFFF0;
	_ =	sdelay $0x2  }
0x126: {  	_ =	swait.ge [sflag:s30], $0x10  }
0x127: {  	[sflag:s30] =	ssyncset.done $0x0  }
0x128: {  	[sflag:s30] =	ssyncadd.s32 $0xFFFFFFF0;
	_ =	sdelay $0x2  }
0x129: {  	_ =	swait.ge [sflag:s30], $0x10  }
0x12a: {  	[sflag:s30] =	ssyncset.done $0x0  }
0x12b: {  	[sflag:s30] =	ssyncadd.s32 $0xFFFFFFF0;
	_ =	sdelay $0x2  }
0x12c: {  	_ =	swait.ge [sflag:s30], $0x10  }
0x12d: {  	[sflag:s30] =	ssyncset.done $0x0  }
0x12e: {  	[sflag:s30] =	ssyncadd.s32 $0xFFFFFFF0;
	_ =	sdelay $0x2  }
0x12f: {  	_ =	swait.ge [sflag:s30], $0x10  }
0x130: {  	[sflag:s30] =	ssyncset.done $0x0  }
0x131: {  	[sflag:s30] =	ssyncadd.s32 $0xFFFFFFF0;
	_ =	sdelay $0x2  }
0x132: {  	_ =	swait.ge [sflag:s30], $0x10  }
0x133: {  	[sflag:s30] =	ssyncset.done $0x0  }
0x134: {  	[sflag:s30] =	ssyncadd.s32 $0xFFFFFFF0;
	_ =	sdelay $0x2  }
0x135: {  	_ =	swait.ge [sflag:s30], $0x10  }
0x136: {  	[sflag:s30] =	ssyncset.done $0x0  }
0x137: {  	[sflag:s30] =	ssyncadd.s32 $0xFFFFFFF0;
	_ =	sdelay $0x2  }
0x138: {  	_ =	swait.ge [sflag:s30], $0x10  }
0x139: {  	[sflag:s30] =	ssyncset.done $0x0  }
0x13a: {  	[sflag:s30] =	ssyncadd.s32 $0xFFFFFFF0;
	_ =	sdelay $0x2  }
0x13b: {  	_ =	swait.ge [sflag:s30], $0x10  }
0x13c: {  	[sflag:s30] =	ssyncset.done $0x0  }
0x13d: {  	[sflag:s30] =	ssyncadd.s32 $0xFFFFFFF0;
	_ =	sdelay $0x2  }
0x13e: {  	_ =	swait.ge [sflag:s30], $0x10  }
0x13f: {  	[sflag:s30] =	ssyncset.done $0x0  }
0x140: {  	[sflag:s30] =	ssyncadd.s32 $0xFFFFFFF0;
	_ =	sdelay $0x2  }
0x141: {  	_ =	swait.ge [sflag:s30], $0x10  }
0x142: {  	[sflag:s30] =	ssyncset.done $0x0  }
0x143: {  	[sflag:s30] =	ssyncadd.s32 $0xFFFFFFF0;
	_ =	sdelay $0x2  }
0x144: {  	_ =	swait.ge [sflag:s30], $0x10  }
0x145: {  	[sflag:s30] =	ssyncset.done $0x0  }
0x146: {  	[sflag:s30] =	ssyncadd.s32 $0xFFFFFFF0  }
0x147: {  	_ =	strace $0x90000046  }
0x148: {  	_ =	sfence  }
0x149: {  	s28 =	sld [smem:$0x0];
	_ =	sdelay $0x1  }
0x14a: {  	s29 =	srdreg.scid  }
0x14b: {  	s31 =	sshrl.u32 s29, $0x2;
	s30 =	sshll.u32 s29, $0xD  }
0x14c: {  	s1 =	sand.u32 $0x1, s29;
	s2 =	sand.u32 $0x4000, s30;
	s0 =	sadd.s32 s31, s28  }
0x14d: {  	s1 =	sor.u32 s2, s1;
	s0 =	sshll.u32 s0, $0x11  }
0x14e: {  	s0 =	sor.u32 s0, s1  }
0x14f: {  	s0 =	sadd.s32 $0x8F2B, s0;
	(pc) =	sbr.abs _section_cstart, $3  }
0x150: {  	[sflag:s0] =	ssyncadd.remote.s32 $0x1  }
0x151: {  	_ =	strace $0x9FFFFFFF  }
0x152: {  	(tm) =	ssettm $0x7FFFFFFF  }
0x153: {  	_ =	shalt  }

</sc_bundles>
